<compile_context>
chip_gen: v7x
topology: tpu7x:2x2x1
jax: 0.10.2.dev20260603
libtpu: 0.0.44.dev20260713+nightly
codegen_flags: <defaults>
</compile_context>

<pallas_src>
import functools

import jax
import jax.numpy as jnp
from jax import lax
from jax.experimental import pallas as pl
from jax.experimental.pallas import tpu as pltpu
from jax.experimental.pallas import tpu_sc as plsc

_L = 16
_NW = 32
_IDX_CHUNK = 128


def _make_sc_loss(B, D):
    b_per_w = B // _NW
    n_chunk = b_per_w // _IDX_CHUNK
    half = b_per_w // 2
    mesh = plsc.VectorSubcoreMesh(core_axis_name="c", subcore_axis_name="s")

    @functools.partial(
        pl.kernel,
        mesh=mesh,
        out_type=jax.ShapeDtypeStruct((_NW, _L), jnp.float32),
        scratch_types=[
            pltpu.VMEM((b_per_w,), jnp.int32),
            pltpu.VMEM((n_chunk, _IDX_CHUNK), jnp.int32),
            pltpu.VMEM((b_per_w, 2 * D), jnp.float32),
            pltpu.VMEM((half, D), jnp.float32),
            pltpu.VMEM((_L,), jnp.float32),
            pltpu.SemaphoreType.DMA,
        ],
    )
    def sc_loss(tgt_hbm, emb_hbm, cent_hbm, out_hbm, idx_v, pidx_v, prow_v,
                emb_v, acc_v, sem):
        wid = lax.axis_index("s") * 2 + lax.axis_index("c")
        base = wid * b_per_w
        pltpu.sync_copy(tgt_hbm.at[pl.ds(base, b_per_w)], idx_v)

        def stage(c, carry):
            pidx_v[c // 8, pl.ds((c % 8) * _L, _L)] = idx_v[pl.ds(c * _L, _L)]
            return carry

        lax.fori_loop(0, b_per_w // _L, stage, 0)
        copies = [
            pltpu.async_copy(
                cent_hbm.at[pidx_v.at[g]],
                prow_v.at[pl.ds(g * _IDX_CHUNK, _IDX_CHUNK)],
                sem,
            )
            for g in range(n_chunk)
        ]

        zero = jnp.zeros((_L,), jnp.float32)
        vecs = D // _L
        accs = (zero,) * vecs

        for ph in range(2):
            pltpu.sync_copy(emb_hbm.at[pl.ds(base + ph * half, half)], emb_v)
            for g in range(n_chunk // 2):
                copies[ph * (n_chunk // 2) + g].wait()
            off = ph * half

            def body(i, accs, off=off):
                out = []
                for j in range(vecs):
                    e = emb_v[i, pl.ds(j * _L, _L)]
                    c = prow_v[off + i, pl.ds(j * _L, _L)]
                    d = e - c
                    out.append(accs[j] + d * d)
                return tuple(out)

            accs = lax.fori_loop(0, half, body, accs)

        total = accs[0]
        for j in range(1, vecs):
            total = total + accs[j]
        acc_v[...] = total
        pltpu.sync_copy(acc_v, out_hbm.at[wid])

    return sc_loss


def kernel(target, vector_embedding, centers):
    B, D = vector_embedding.shape
    tgt = target.astype(jnp.int32)
    cent_wide = jnp.pad(centers, ((0, 0), (0, D)))
    partials = _make_sc_loss(B, D)(tgt, vector_embedding, cent_wide)
    return jnp.sum(partials) * (0.5 / B)

# --- scband reference (transcript-rebuilt; emitter-appended) ---
"""Pipeline reference for scband-center-loss-autograd-31387620999378 (READ-ONLY COPY).

The authoritative reference and input builder live on the scoring server;
editing this copy changes nothing except your own understanding.
"""

import jax, jax.numpy as jnp
import numpy as np

NUM_CLASS = 100000
VECTOR_SIZE = 64
BATCH = 16384


def setup_inputs(seed: int = 0) -> dict:
    key = jax.random.key(seed)
    k1, k2, k3 = jax.random.split(key, 3)
    target = jax.random.randint(k1, (BATCH,), 0, NUM_CLASS, dtype=jnp.int64 if jax.config.jax_enable_x64 else jnp.int32)
    vector_embedding = jax.random.normal(k2, (BATCH, VECTOR_SIZE), dtype=jnp.float32)
    centers = jax.random.normal(k3, (NUM_CLASS, VECTOR_SIZE), dtype=jnp.float32)
    return {"target": target, "vector_embedding": vector_embedding, "centers": centers}


def reference(target, vector_embedding, centers):
    # center_by_target = centers.index_select(0, target)
    center_by_target = jnp.take(centers, target, axis=0)
    diff = vector_embedding - center_by_target
    batch_size = diff.shape[0]
    return 0.5 * jnp.sum(jnp.square(diff)) / batch_size

if __name__ == "__main__":
    import jax
    _d = setup_inputs()
    print(jax.jit(kernel)(*tuple(_d.values())))

</pallas_src>

<mosaic_0001>
#map = affine_map<(d0, d1) -> (0)>
#map1 = affine_map<(d0, d1) -> (0, 0)>
module attributes {stable_mosaic.version = 14 : i64} {
  func.func @sc_loss(%arg0: i32, %arg1: i32, %arg2: memref<16384xi32, #tpu.memory_space<hbm>>, %arg3: memref<16384x64xf32, #tpu.memory_space<hbm>>, %arg4: memref<100000x128xf32, #tpu.memory_space<hbm>>, %arg5: memref<32x16xf32, #tpu.memory_space<hbm>>, %arg6: memref<512xi32, #tpu.memory_space<vmem>>, %arg7: memref<4x128xi32, #tpu.memory_space<vmem>>, %arg8: memref<512x128xf32, #tpu.memory_space<vmem>>, %arg9: memref<256x64xf32, #tpu.memory_space<vmem>>, %arg10: memref<16xf32, #tpu.memory_space<vmem>>, %arg11: memref<!tpu.dma_semaphore, #tpu.memory_space<semaphore_mem>>) attributes {dimension_semantics = [#tpu.dimension_semantics<core_parallel>, #tpu.dimension_semantics<subcore_parallel>], iteration_bounds = array<i64: 2, 16>, scalar_prefetch = 0 : i64, scratch_operands = 6 : i64, tpu.core_type = #tpu.core_type<sc_vector_subcore>, window_params = [{transform_indices = #map}, {transform_indices = #map1}, {transform_indices = #map1}, {transform_indices = #map1}]} {
    %mul3A = arith.constant 2 : i32
    %mul3A_0 = arith.muli %arg1, %mul3A : i32
    %add3A = arith.addi %mul3A_0, %arg0 : i32
    %mul3A_1 = arith.constant 512 : i32
    %mul3A_2 = arith.muli %add3A, %mul3A_1 : i32
    "tpu.region"() ({
      %run_scoped3A = tpu.sem_alloc : memref<!tpu.dma_semaphore, #tpu.memory_space<semaphore_mem>>
      %dma_start3A_109 = tpu.memref_slice %arg2[%mul3A_2] : memref<16384xi32, #tpu.memory_space<hbm>> -> memref<512xi32, #tpu.memory_space<hbm>>
      %dma_start3A_110 = tpu.memref_slice %arg2[%mul3A_2] : memref<16384xi32, #tpu.memory_space<hbm>> -> memref<512xi32, #tpu.memory_space<hbm>>
      tpu.enqueue_dma source(%dma_start3A_110 : memref<512xi32, #tpu.memory_space<hbm>>) target(%arg6 : memref<512xi32, #tpu.memory_space<vmem>>) target_semaphore(%run_scoped3A : memref<!tpu.dma_semaphore, #tpu.memory_space<semaphore_mem>>)
      %dma_wait3A_111 = tpu.memref_slice %arg2[%mul3A_2] : memref<16384xi32, #tpu.memory_space<hbm>> -> memref<512xi32, #tpu.memory_space<hbm>>
      %dma_wait3A_112 = tpu.memref_slice %arg2[%mul3A_2] : memref<16384xi32, #tpu.memory_space<hbm>> -> memref<512xi32, #tpu.memory_space<hbm>>
      tpu.wait_dma2 semaphore(%run_scoped3A : memref<!tpu.dma_semaphore, #tpu.memory_space<semaphore_mem>>) src(%dma_wait3A_112 : memref<512xi32, #tpu.memory_space<hbm>>) dst(%arg6 : memref<512xi32, #tpu.memory_space<vmem>>)
      tpu.yield
    }) : () -> ()
    %scan3A = arith.constant 0 : i32
    %scan3A_3 = arith.constant 0 : i32
    %scan3A_4 = arith.constant 32 : i32
    %scan3A_5 = arith.addi %scan3A_3, %scan3A_4 : i32
    %scan3A_6 = arith.constant 1 : i32
    scf.for %scan3A_109 = %scan3A_3 to %scan3A_5 step %scan3A_6  : i32 {
      %mul3A_110 = arith.constant 16 : i32
      %mul3A_111 = arith.muli %scan3A_109, %mul3A_110 : i32
      %get3A = arith.index_cast %mul3A_111 : i32 to index
      %get3A_112 = tpu.vector_load %arg6[%get3A] {strides = array<i32>} : memref<512xi32, #tpu.memory_space<vmem>>, vector<16xi32>,
      %get3A_113 = vector.shape_cast %get3A_112 : vector<16xi32> to vector<16xi32>
      %jit3A = arith.constant 8 : i32
      %div3A = arith.divsi %scan3A_109, %jit3A : i32
      %sign3A = arith.constant 0 : i32
      %sign3A_114 = arith.cmpi sgt, %scan3A_109, %sign3A : i32
      %sign3A_115 = arith.extui %sign3A_114 : i1 to i32
      %sign3A_116 = arith.constant 0 : i32
      %sign3A_117 = arith.cmpi slt, %scan3A_109, %sign3A_116 : i32
      %sign3A_118 = arith.extui %sign3A_117 : i1 to i32
      %sign3A_119 = arith.subi %sign3A_115, %sign3A_118 : i32
      %sign3A_120 = arith.constant 0 : i32
      %sign3A_121 = arith.cmpi sgt, %jit3A, %sign3A_120 : i32
      %sign3A_122 = arith.extui %sign3A_121 : i1 to i32
      %sign3A_123 = arith.constant 0 : i32
      %sign3A_124 = arith.cmpi slt, %jit3A, %sign3A_123 : i32
      %sign3A_125 = arith.extui %sign3A_124 : i1 to i32
      %sign3A_126 = arith.subi %sign3A_122, %sign3A_125 : i32
      %ne3A = arith.cmpi ne, %sign3A_119, %sign3A_126 : i32
      %rem3A = arith.remsi %scan3A_109, %jit3A : i32
      %ne3A_127 = arith.constant 0 : i32
      %ne3A_128 = arith.cmpi ne, %rem3A, %ne3A_127 : i32
      %and3A = arith.andi %ne3A, %ne3A_128 : i1
      %sub3A = arith.constant 1 : i32
      %sub3A_129 = arith.subi %div3A, %sub3A : i32
      %select_n3A = arith.select %and3A, %sub3A_129, %div3A : i32
      %jit3A_130 = arith.constant 8 : i32
      %eq3A = arith.constant 0 : i32
      %eq3A_131 = arith.cmpi eq, %jit3A_130, %eq3A : i32
      %jit3A_132 = arith.constant 1 : i32
      %select_n3A_133 = arith.select %eq3A_131, %jit3A_132, %jit3A_130 : i32
      %rem3A_134 = arith.remsi %scan3A_109, %select_n3A_133 : i32
      %ne3A_135 = arith.constant 0 : i32
      %ne3A_136 = arith.cmpi ne, %rem3A_134, %ne3A_135 : i32
      %lt3A = arith.constant 0 : i32
      %lt3A_137 = arith.cmpi slt, %rem3A_134, %lt3A : i32
      %lt3A_138 = arith.constant 0 : i32
      %lt3A_139 = arith.cmpi slt, %select_n3A_133, %lt3A_138 : i32
      %ne3A_140 = arith.xori %lt3A_137, %lt3A_139 : i1
      %and3A_141 = arith.andi %ne3A_140, %ne3A_136 : i1
      %add3A_142 = arith.addi %rem3A_134, %select_n3A_133 : i32
      %select_n3A_143 = arith.select %and3A_141, %add3A_142, %rem3A_134 : i32
      %mul3A_144 = arith.constant 16 : i32
      %mul3A_145 = arith.muli %select_n3A_143, %mul3A_144 : i32
      %swap3A_146 = arith.index_cast %select_n3A : i32 to index
      %swap3A_147 = arith.index_cast %mul3A_145 : i32 to index
      %swap3A_148 = tpu.vector_load %arg7[%swap3A_146, %swap3A_147] {strides = array<i32>} : memref<4x128xi32, #tpu.memory_space<vmem>>, vector<1x16xi32>,
      %swap3A_149 = vector.shape_cast %swap3A_148 : vector<1x16xi32> to vector<16xi32>
      %swap3A_150 = vector.shape_cast %get3A_113 : vector<16xi32> to vector<1x16xi32>
      tpu.vector_store %arg7[%swap3A_146, %swap3A_147], %swap3A_150 {strides = array<i32>} : memref<4x128xi32, #tpu.memory_space<vmem>>, vector<1x16xi32>,
    }
    %scan3A_7 = arith.constant 32 : i32
    %dma_start3A = arith.constant 0 : i32
    %dma_start3A_8 = arith.constant 0 : i32
    %dma_start3A_9 = arith.constant 0 : i32
    %dma_start3A_10 = tpu.memref_slice %arg8[%dma_start3A_8, %dma_start3A_9] : memref<512x128xf32, #tpu.memory_space<vmem>> -> memref<128x128xf32, #tpu.memory_space<vmem>>
    %dma_start3A_11 = arith.constant 0 : i32
    %dma_start3A_12 = tpu.memref_slice %arg7[%dma_start3A, %dma_start3A_11] : memref<4x128xi32, #tpu.memory_space<vmem>> -> memref<1x128xi32, #tpu.memory_space<vmem>>
    %dma_start3A_13 = tpu.memref_squeeze %dma_start3A_12 : memref<1x128xi32, #tpu.memory_space<vmem>> -> memref<128xi32, #tpu.memory_space<vmem>>
    %dma_start3A_14 = arith.constant 0 : i32
    %dma_start3A_15 = arith.constant 0 : i32
    %dma_start3A_16 = tpu.memref_slice %arg4[%dma_start3A_14, %dma_start3A_15] : memref<100000x128xf32, #tpu.memory_space<hbm>> -> memref<100000x128xf32, #tpu.memory_space<hbm>>
    tpu.enqueue_indirect_dma source(%dma_start3A_16 : memref<100000x128xf32, #tpu.memory_space<hbm>>) target(%dma_start3A_10 : memref<128x128xf32, #tpu.memory_space<vmem>>) offsets(%dma_start3A_13 : memref<128xi32, #tpu.memory_space<vmem>>) semaphore(%arg11 : memref<!tpu.dma_semaphore, #tpu.memory_space<semaphore_mem>>)
    %dma_start3A_17 = arith.constant 1 : i32
    %dma_start3A_18 = arith.constant 128 : i32
    %dma_start3A_19 = arith.constant 0 : i32
    %dma_start3A_20 = tpu.memref_slice %arg8[%dma_start3A_18, %dma_start3A_19] : memref<512x128xf32, #tpu.memory_space<vmem>> -> memref<128x128xf32, #tpu.memory_space<vmem>>
    %dma_start3A_21 = arith.constant 0 : i32
    %dma_start3A_22 = tpu.memref_slice %arg7[%dma_start3A_17, %dma_start3A_21] : memref<4x128xi32, #tpu.memory_space<vmem>> -> memref<1x128xi32, #tpu.memory_space<vmem>>
    %dma_start3A_23 = tpu.memref_squeeze %dma_start3A_22 : memref<1x128xi32, #tpu.memory_space<vmem>> -> memref<128xi32, #tpu.memory_space<vmem>>
    %dma_start3A_24 = arith.constant 0 : i32
    %dma_start3A_25 = arith.constant 0 : i32
    %dma_start3A_26 = tpu.memref_slice %arg4[%dma_start3A_24, %dma_start3A_25] : memref<100000x128xf32, #tpu.memory_space<hbm>> -> memref<100000x128xf32, #tpu.memory_space<hbm>>
    tpu.enqueue_indirect_dma source(%dma_start3A_26 : memref<100000x128xf32, #tpu.memory_space<hbm>>) target(%dma_start3A_20 : memref<128x128xf32, #tpu.memory_space<vmem>>) offsets(%dma_start3A_23 : memref<128xi32, #tpu.memory_space<vmem>>) semaphore(%arg11 : memref<!tpu.dma_semaphore, #tpu.memory_space<semaphore_mem>>)
    %dma_start3A_27 = arith.constant 2 : i32
    %dma_start3A_28 = arith.constant 256 : i32
    %dma_start3A_29 = arith.constant 0 : i32
    %dma_start3A_30 = tpu.memref_slice %arg8[%dma_start3A_28, %dma_start3A_29] : memref<512x128xf32, #tpu.memory_space<vmem>> -> memref<128x128xf32, #tpu.memory_space<vmem>>
    %dma_start3A_31 = arith.constant 0 : i32
    %dma_start3A_32 = tpu.memref_slice %arg7[%dma_start3A_27, %dma_start3A_31] : memref<4x128xi32, #tpu.memory_space<vmem>> -> memref<1x128xi32, #tpu.memory_space<vmem>>
    %dma_start3A_33 = tpu.memref_squeeze %dma_start3A_32 : memref<1x128xi32, #tpu.memory_space<vmem>> -> memref<128xi32, #tpu.memory_space<vmem>>
    %dma_start3A_34 = arith.constant 0 : i32
    %dma_start3A_35 = arith.constant 0 : i32
    %dma_start3A_36 = tpu.memref_slice %arg4[%dma_start3A_34, %dma_start3A_35] : memref<100000x128xf32, #tpu.memory_space<hbm>> -> memref<100000x128xf32, #tpu.memory_space<hbm>>
    tpu.enqueue_indirect_dma source(%dma_start3A_36 : memref<100000x128xf32, #tpu.memory_space<hbm>>) target(%dma_start3A_30 : memref<128x128xf32, #tpu.memory_space<vmem>>) offsets(%dma_start3A_33 : memref<128xi32, #tpu.memory_space<vmem>>) semaphore(%arg11 : memref<!tpu.dma_semaphore, #tpu.memory_space<semaphore_mem>>)
    %dma_start3A_37 = arith.constant 3 : i32
    %dma_start3A_38 = arith.constant 384 : i32
    %dma_start3A_39 = arith.constant 0 : i32
    %dma_start3A_40 = tpu.memref_slice %arg8[%dma_start3A_38, %dma_start3A_39] : memref<512x128xf32, #tpu.memory_space<vmem>> -> memref<128x128xf32, #tpu.memory_space<vmem>>
    %dma_start3A_41 = arith.constant 0 : i32
    %dma_start3A_42 = tpu.memref_slice %arg7[%dma_start3A_37, %dma_start3A_41] : memref<4x128xi32, #tpu.memory_space<vmem>> -> memref<1x128xi32, #tpu.memory_space<vmem>>
    %dma_start3A_43 = tpu.memref_squeeze %dma_start3A_42 : memref<1x128xi32, #tpu.memory_space<vmem>> -> memref<128xi32, #tpu.memory_space<vmem>>
    %dma_start3A_44 = arith.constant 0 : i32
    %dma_start3A_45 = arith.constant 0 : i32
    %dma_start3A_46 = tpu.memref_slice %arg4[%dma_start3A_44, %dma_start3A_45] : memref<100000x128xf32, #tpu.memory_space<hbm>> -> memref<100000x128xf32, #tpu.memory_space<hbm>>
    tpu.enqueue_indirect_dma source(%dma_start3A_46 : memref<100000x128xf32, #tpu.memory_space<hbm>>) target(%dma_start3A_40 : memref<128x128xf32, #tpu.memory_space<vmem>>) offsets(%dma_start3A_43 : memref<128xi32, #tpu.memory_space<vmem>>) semaphore(%arg11 : memref<!tpu.dma_semaphore, #tpu.memory_space<semaphore_mem>>)
    %broadcast_in_dim3A = arith.constant 0.000000e+00 : f32
    %broadcast_in_dim3A_47 = vector.broadcast %broadcast_in_dim3A : f32 to vector<16xf32>
    %add3A_48 = arith.constant 0 : i32
    %add3A_49 = arith.addi %mul3A_2, %add3A_48 : i32
    "tpu.region"() ({
      %run_scoped3A = tpu.sem_alloc : memref<!tpu.dma_semaphore, #tpu.memory_space<semaphore_mem>>
      %dma_start3A_109 = arith.constant 0 : i32
      %dma_start3A_110 = tpu.memref_slice %arg3[%add3A_49, %dma_start3A_109] : memref<16384x64xf32, #tpu.memory_space<hbm>> -> memref<256x64xf32, #tpu.memory_space<hbm>>
      %dma_start3A_111 = arith.constant 0 : i32
      %dma_start3A_112 = tpu.memref_slice %arg3[%add3A_49, %dma_start3A_111] : memref<16384x64xf32, #tpu.memory_space<hbm>> -> memref<256x64xf32, #tpu.memory_space<hbm>>
      tpu.enqueue_dma source(%dma_start3A_112 : memref<256x64xf32, #tpu.memory_space<hbm>>) target(%arg9 : memref<256x64xf32, #tpu.memory_space<vmem>>) target_semaphore(%run_scoped3A : memref<!tpu.dma_semaphore, #tpu.memory_space<semaphore_mem>>)
      %dma_wait3A_113 = arith.constant 0 : i32
      %dma_wait3A_114 = tpu.memref_slice %arg3[%add3A_49, %dma_wait3A_113] : memref<16384x64xf32, #tpu.memory_space<hbm>> -> memref<256x64xf32, #tpu.memory_space<hbm>>
      %dma_wait3A_115 = arith.constant 0 : i32
      %dma_wait3A_116 = tpu.memref_slice %arg3[%add3A_49, %dma_wait3A_115] : memref<16384x64xf32, #tpu.memory_space<hbm>> -> memref<256x64xf32, #tpu.memory_space<hbm>>
      tpu.wait_dma2 semaphore(%run_scoped3A : memref<!tpu.dma_semaphore, #tpu.memory_space<semaphore_mem>>) src(%dma_wait3A_116 : memref<256x64xf32, #tpu.memory_space<hbm>>) dst(%arg9 : memref<256x64xf32, #tpu.memory_space<vmem>>)
      tpu.yield
    }) : () -> ()
    %dma_wait3A = arith.constant 0 : i32
    %dma_wait3A_50 = arith.constant 0 : i32
    %dma_wait3A_51 = arith.constant 0 : i32
    %dma_wait3A_52 = tpu.memref_slice %arg8[%dma_wait3A_50, %dma_wait3A_51] : memref<512x128xf32, #tpu.memory_space<vmem>> -> memref<128x128xf32, #tpu.memory_space<vmem>>
    %dma_wait3A_53 = arith.constant 0 : i32
    %dma_wait3A_54 = tpu.memref_slice %arg7[%dma_wait3A, %dma_wait3A_53] : memref<4x128xi32, #tpu.memory_space<vmem>> -> memref<1x128xi32, #tpu.memory_space<vmem>>
    %dma_wait3A_55 = tpu.memref_squeeze %dma_wait3A_54 : memref<1x128xi32, #tpu.memory_space<vmem>> -> memref<128xi32, #tpu.memory_space<vmem>>
    %dma_wait3A_56 = arith.constant 0 : i32
    %dma_wait3A_57 = arith.constant 0 : i32
    %dma_wait3A_58 = tpu.memref_slice %arg4[%dma_wait3A_56, %dma_wait3A_57] : memref<100000x128xf32, #tpu.memory_space<hbm>> -> memref<100000x128xf32, #tpu.memory_space<hbm>>
    tpu.wait_indirect_dma semaphore(%arg11 : memref<!tpu.dma_semaphore, #tpu.memory_space<semaphore_mem>>) src(%dma_wait3A_58 : memref<100000x128xf32, #tpu.memory_space<hbm>>) dst(%dma_wait3A_52 : memref<128x128xf32, #tpu.memory_space<vmem>>)
    %dma_wait3A_59 = arith.constant 1 : i32
    %dma_wait3A_60 = arith.constant 128 : i32
    %dma_wait3A_61 = arith.constant 0 : i32
    %dma_wait3A_62 = tpu.memref_slice %arg8[%dma_wait3A_60, %dma_wait3A_61] : memref<512x128xf32, #tpu.memory_space<vmem>> -> memref<128x128xf32, #tpu.memory_space<vmem>>
    %dma_wait3A_63 = arith.constant 0 : i32
    %dma_wait3A_64 = tpu.memref_slice %arg7[%dma_wait3A_59, %dma_wait3A_63] : memref<4x128xi32, #tpu.memory_space<vmem>> -> memref<1x128xi32, #tpu.memory_space<vmem>>
    %dma_wait3A_65 = tpu.memref_squeeze %dma_wait3A_64 : memref<1x128xi32, #tpu.memory_space<vmem>> -> memref<128xi32, #tpu.memory_space<vmem>>
    %dma_wait3A_66 = arith.constant 0 : i32
    %dma_wait3A_67 = arith.constant 0 : i32
    %dma_wait3A_68 = tpu.memref_slice %arg4[%dma_wait3A_66, %dma_wait3A_67] : memref<100000x128xf32, #tpu.memory_space<hbm>> -> memref<100000x128xf32, #tpu.memory_space<hbm>>
    tpu.wait_indirect_dma semaphore(%arg11 : memref<!tpu.dma_semaphore, #tpu.memory_space<semaphore_mem>>) src(%dma_wait3A_68 : memref<100000x128xf32, #tpu.memory_space<hbm>>) dst(%dma_wait3A_62 : memref<128x128xf32, #tpu.memory_space<vmem>>)
    %scan3A_69 = arith.constant 0 : i32
    %scan3A_70 = arith.constant 256 : i32
    %scan3A_71 = arith.addi %scan3A_69, %scan3A_70 : i32
    %scan3A_72 = arith.constant 1 : i32
    %scan3A_73:4 = scf.for %scan3A_109 = %scan3A_69 to %scan3A_71 step %scan3A_72 iter_args(%scan3A_110 = %broadcast_in_dim3A_47, %scan3A_111 = %broadcast_in_dim3A_47, %scan3A_112 = %broadcast_in_dim3A_47, %scan3A_113 = %broadcast_in_dim3A_47) -> (vector<16xf32>, vector<16xf32>, vector<16xf32>, vector<16xf32>)  : i32 {
      %get3A = arith.index_cast %scan3A_109 : i32 to index
      %get3A_114 = arith.constant 0 : index
      %get3A_115 = tpu.vector_load %arg9[%get3A, %get3A_114] {strides = array<i32>} : memref<256x64xf32, #tpu.memory_space<vmem>>, vector<1x16xf32>,
      %get3A_116 = vector.shape_cast %get3A_115 : vector<1x16xf32> to vector<16xf32>
      %add3A_117 = arith.constant 0 : i32
      %add3A_118 = arith.addi %add3A_117, %scan3A_109 : i32
      %get3A_119 = arith.index_cast %add3A_118 : i32 to index
      %get3A_120 = arith.constant 0 : index
      %get3A_121 = tpu.vector_load %arg8[%get3A_119, %get3A_120] {strides = array<i32>} : memref<512x128xf32, #tpu.memory_space<vmem>>, vector<1x16xf32>,
      %get3A_122 = vector.shape_cast %get3A_121 : vector<1x16xf32> to vector<16xf32>
      %sub3A = arith.subf %get3A_116, %get3A_122 : vector<16xf32>
      %mul3A_123 = arith.mulf %sub3A, %sub3A : vector<16xf32>
      %add3A_124 = arith.addf %scan3A_110, %mul3A_123 : vector<16xf32>
      %get3A_125 = arith.index_cast %scan3A_109 : i32 to index
      %get3A_126 = arith.constant 16 : index
      %get3A_127 = tpu.vector_load %arg9[%get3A_125, %get3A_126] {strides = array<i32>} : memref<256x64xf32, #tpu.memory_space<vmem>>, vector<1x16xf32>,
      %get3A_128 = vector.shape_cast %get3A_127 : vector<1x16xf32> to vector<16xf32>
      %add3A_129 = arith.constant 0 : i32
      %add3A_130 = arith.addi %add3A_129, %scan3A_109 : i32
      %get3A_131 = arith.index_cast %add3A_130 : i32 to index
      %get3A_132 = arith.constant 16 : index
      %get3A_133 = tpu.vector_load %arg8[%get3A_131, %get3A_132] {strides = array<i32>} : memref<512x128xf32, #tpu.memory_space<vmem>>, vector<1x16xf32>,
      %get3A_134 = vector.shape_cast %get3A_133 : vector<1x16xf32> to vector<16xf32>
      %sub3A_135 = arith.subf %get3A_128, %get3A_134 : vector<16xf32>
      %mul3A_136 = arith.mulf %sub3A_135, %sub3A_135 : vector<16xf32>
      %add3A_137 = arith.addf %scan3A_111, %mul3A_136 : vector<16xf32>
      %get3A_138 = arith.index_cast %scan3A_109 : i32 to index
      %get3A_139 = arith.constant 32 : index
      %get3A_140 = tpu.vector_load %arg9[%get3A_138, %get3A_139] {strides = array<i32>} : memref<256x64xf32, #tpu.memory_space<vmem>>, vector<1x16xf32>,
      %get3A_141 = vector.shape_cast %get3A_140 : vector<1x16xf32> to vector<16xf32>
      %add3A_142 = arith.constant 0 : i32
      %add3A_143 = arith.addi %add3A_142, %scan3A_109 : i32
      %get3A_144 = arith.index_cast %add3A_143 : i32 to index
      %get3A_145 = arith.constant 32 : index
      %get3A_146 = tpu.vector_load %arg8[%get3A_144, %get3A_145] {strides = array<i32>} : memref<512x128xf32, #tpu.memory_space<vmem>>, vector<1x16xf32>,
      %get3A_147 = vector.shape_cast %get3A_146 : vector<1x16xf32> to vector<16xf32>
      %sub3A_148 = arith.subf %get3A_141, %get3A_147 : vector<16xf32>
      %mul3A_149 = arith.mulf %sub3A_148, %sub3A_148 : vector<16xf32>
      %add3A_150 = arith.addf %scan3A_112, %mul3A_149 : vector<16xf32>
      %get3A_151 = arith.index_cast %scan3A_109 : i32 to index
      %get3A_152 = arith.constant 48 : index
      %get3A_153 = tpu.vector_load %arg9[%get3A_151, %get3A_152] {strides = array<i32>} : memref<256x64xf32, #tpu.memory_space<vmem>>, vector<1x16xf32>,
      %get3A_154 = vector.shape_cast %get3A_153 : vector<1x16xf32> to vector<16xf32>
      %add3A_155 = arith.constant 0 : i32
      %add3A_156 = arith.addi %add3A_155, %scan3A_109 : i32
      %get3A_157 = arith.index_cast %add3A_156 : i32 to index
      %get3A_158 = arith.constant 48 : index
      %get3A_159 = tpu.vector_load %arg8[%get3A_157, %get3A_158] {strides = array<i32>} : memref<512x128xf32, #tpu.memory_space<vmem>>, vector<1x16xf32>,
      %get3A_160 = vector.shape_cast %get3A_159 : vector<1x16xf32> to vector<16xf32>
      %sub3A_161 = arith.subf %get3A_154, %get3A_160 : vector<16xf32>
      %mul3A_162 = arith.mulf %sub3A_161, %sub3A_161 : vector<16xf32>
      %add3A_163 = arith.addf %scan3A_113, %mul3A_162 : vector<16xf32>
      scf.yield %add3A_124, %add3A_137, %add3A_150, %add3A_163 : vector<16xf32>, vector<16xf32>, vector<16xf32>, vector<16xf32>
    }
    %scan3A_74 = arith.constant 256 : i32
    %add3A_75 = arith.constant 256 : i32
    %add3A_76 = arith.addi %mul3A_2, %add3A_75 : i32
    "tpu.region"() ({
      %run_scoped3A = tpu.sem_alloc : memref<!tpu.dma_semaphore, #tpu.memory_space<semaphore_mem>>
      %dma_start3A_109 = arith.constant 0 : i32
      %dma_start3A_110 = tpu.memref_slice %arg3[%add3A_76, %dma_start3A_109] : memref<16384x64xf32, #tpu.memory_space<hbm>> -> memref<256x64xf32, #tpu.memory_space<hbm>>
      %dma_start3A_111 = arith.constant 0 : i32
      %dma_start3A_112 = tpu.memref_slice %arg3[%add3A_76, %dma_start3A_111] : memref<16384x64xf32, #tpu.memory_space<hbm>> -> memref<256x64xf32, #tpu.memory_space<hbm>>
      tpu.enqueue_dma source(%dma_start3A_112 : memref<256x64xf32, #tpu.memory_space<hbm>>) target(%arg9 : memref<256x64xf32, #tpu.memory_space<vmem>>) target_semaphore(%run_scoped3A : memref<!tpu.dma_semaphore, #tpu.memory_space<semaphore_mem>>)
      %dma_wait3A_113 = arith.constant 0 : i32
      %dma_wait3A_114 = tpu.memref_slice %arg3[%add3A_76, %dma_wait3A_113] : memref<16384x64xf32, #tpu.memory_space<hbm>> -> memref<256x64xf32, #tpu.memory_space<hbm>>
      %dma_wait3A_115 = arith.constant 0 : i32
      %dma_wait3A_116 = tpu.memref_slice %arg3[%add3A_76, %dma_wait3A_115] : memref<16384x64xf32, #tpu.memory_space<hbm>> -> memref<256x64xf32, #tpu.memory_space<hbm>>
      tpu.wait_dma2 semaphore(%run_scoped3A : memref<!tpu.dma_semaphore, #tpu.memory_space<semaphore_mem>>) src(%dma_wait3A_116 : memref<256x64xf32, #tpu.memory_space<hbm>>) dst(%arg9 : memref<256x64xf32, #tpu.memory_space<vmem>>)
      tpu.yield
    }) : () -> ()
    %dma_wait3A_77 = arith.constant 2 : i32
    %dma_wait3A_78 = arith.constant 256 : i32
    %dma_wait3A_79 = arith.constant 0 : i32
    %dma_wait3A_80 = tpu.memref_slice %arg8[%dma_wait3A_78, %dma_wait3A_79] : memref<512x128xf32, #tpu.memory_space<vmem>> -> memref<128x128xf32, #tpu.memory_space<vmem>>
    %dma_wait3A_81 = arith.constant 0 : i32
    %dma_wait3A_82 = tpu.memref_slice %arg7[%dma_wait3A_77, %dma_wait3A_81] : memref<4x128xi32, #tpu.memory_space<vmem>> -> memref<1x128xi32, #tpu.memory_space<vmem>>
    %dma_wait3A_83 = tpu.memref_squeeze %dma_wait3A_82 : memref<1x128xi32, #tpu.memory_space<vmem>> -> memref<128xi32, #tpu.memory_space<vmem>>
    %dma_wait3A_84 = arith.constant 0 : i32
    %dma_wait3A_85 = arith.constant 0 : i32
    %dma_wait3A_86 = tpu.memref_slice %arg4[%dma_wait3A_84, %dma_wait3A_85] : memref<100000x128xf32, #tpu.memory_space<hbm>> -> memref<100000x128xf32, #tpu.memory_space<hbm>>
    tpu.wait_indirect_dma semaphore(%arg11 : memref<!tpu.dma_semaphore, #tpu.memory_space<semaphore_mem>>) src(%dma_wait3A_86 : memref<100000x128xf32, #tpu.memory_space<hbm>>) dst(%dma_wait3A_80 : memref<128x128xf32, #tpu.memory_space<vmem>>)
    %dma_wait3A_87 = arith.constant 3 : i32
    %dma_wait3A_88 = arith.constant 384 : i32
    %dma_wait3A_89 = arith.constant 0 : i32
    %dma_wait3A_90 = tpu.memref_slice %arg8[%dma_wait3A_88, %dma_wait3A_89] : memref<512x128xf32, #tpu.memory_space<vmem>> -> memref<128x128xf32, #tpu.memory_space<vmem>>
    %dma_wait3A_91 = arith.constant 0 : i32
    %dma_wait3A_92 = tpu.memref_slice %arg7[%dma_wait3A_87, %dma_wait3A_91] : memref<4x128xi32, #tpu.memory_space<vmem>> -> memref<1x128xi32, #tpu.memory_space<vmem>>
    %dma_wait3A_93 = tpu.memref_squeeze %dma_wait3A_92 : memref<1x128xi32, #tpu.memory_space<vmem>> -> memref<128xi32, #tpu.memory_space<vmem>>
    %dma_wait3A_94 = arith.constant 0 : i32
    %dma_wait3A_95 = arith.constant 0 : i32
    %dma_wait3A_96 = tpu.memref_slice %arg4[%dma_wait3A_94, %dma_wait3A_95] : memref<100000x128xf32, #tpu.memory_space<hbm>> -> memref<100000x128xf32, #tpu.memory_space<hbm>>
    tpu.wait_indirect_dma semaphore(%arg11 : memref<!tpu.dma_semaphore, #tpu.memory_space<semaphore_mem>>) src(%dma_wait3A_96 : memref<100000x128xf32, #tpu.memory_space<hbm>>) dst(%dma_wait3A_90 : memref<128x128xf32, #tpu.memory_space<vmem>>)
    %scan3A_97 = arith.constant 0 : i32
    %scan3A_98 = arith.constant 256 : i32
    %scan3A_99 = arith.addi %scan3A_97, %scan3A_98 : i32
    %scan3A_100 = arith.constant 1 : i32
    %scan3A_101:4 = scf.for %scan3A_109 = %scan3A_97 to %scan3A_99 step %scan3A_100 iter_args(%scan3A_110 = %scan3A_73#0, %scan3A_111 = %scan3A_73#1, %scan3A_112 = %scan3A_73#2, %scan3A_113 = %scan3A_73#3) -> (vector<16xf32>, vector<16xf32>, vector<16xf32>, vector<16xf32>)  : i32 {
      %get3A = arith.index_cast %scan3A_109 : i32 to index
      %get3A_114 = arith.constant 0 : index
      %get3A_115 = tpu.vector_load %arg9[%get3A, %get3A_114] {strides = array<i32>} : memref<256x64xf32, #tpu.memory_space<vmem>>, vector<1x16xf32>,
      %get3A_116 = vector.shape_cast %get3A_115 : vector<1x16xf32> to vector<16xf32>
      %add3A_117 = arith.constant 256 : i32
      %add3A_118 = arith.addi %add3A_117, %scan3A_109 : i32
      %get3A_119 = arith.index_cast %add3A_118 : i32 to index
      %get3A_120 = arith.constant 0 : index
      %get3A_121 = tpu.vector_load %arg8[%get3A_119, %get3A_120] {strides = array<i32>} : memref<512x128xf32, #tpu.memory_space<vmem>>, vector<1x16xf32>,
      %get3A_122 = vector.shape_cast %get3A_121 : vector<1x16xf32> to vector<16xf32>
      %sub3A = arith.subf %get3A_116, %get3A_122 : vector<16xf32>
      %mul3A_123 = arith.mulf %sub3A, %sub3A : vector<16xf32>
      %add3A_124 = arith.addf %scan3A_110, %mul3A_123 : vector<16xf32>
      %get3A_125 = arith.index_cast %scan3A_109 : i32 to index
      %get3A_126 = arith.constant 16 : index
      %get3A_127 = tpu.vector_load %arg9[%get3A_125, %get3A_126] {strides = array<i32>} : memref<256x64xf32, #tpu.memory_space<vmem>>, vector<1x16xf32>,
      %get3A_128 = vector.shape_cast %get3A_127 : vector<1x16xf32> to vector<16xf32>
      %add3A_129 = arith.constant 256 : i32
      %add3A_130 = arith.addi %add3A_129, %scan3A_109 : i32
      %get3A_131 = arith.index_cast %add3A_130 : i32 to index
      %get3A_132 = arith.constant 16 : index
      %get3A_133 = tpu.vector_load %arg8[%get3A_131, %get3A_132] {strides = array<i32>} : memref<512x128xf32, #tpu.memory_space<vmem>>, vector<1x16xf32>,
      %get3A_134 = vector.shape_cast %get3A_133 : vector<1x16xf32> to vector<16xf32>
      %sub3A_135 = arith.subf %get3A_128, %get3A_134 : vector<16xf32>
      %mul3A_136 = arith.mulf %sub3A_135, %sub3A_135 : vector<16xf32>
      %add3A_137 = arith.addf %scan3A_111, %mul3A_136 : vector<16xf32>
      %get3A_138 = arith.index_cast %scan3A_109 : i32 to index
      %get3A_139 = arith.constant 32 : index
      %get3A_140 = tpu.vector_load %arg9[%get3A_138, %get3A_139] {strides = array<i32>} : memref<256x64xf32, #tpu.memory_space<vmem>>, vector<1x16xf32>,
      %get3A_141 = vector.shape_cast %get3A_140 : vector<1x16xf32> to vector<16xf32>
      %add3A_142 = arith.constant 256 : i32
      %add3A_143 = arith.addi %add3A_142, %scan3A_109 : i32
      %get3A_144 = arith.index_cast %add3A_143 : i32 to index
      %get3A_145 = arith.constant 32 : index
      %get3A_146 = tpu.vector_load %arg8[%get3A_144, %get3A_145] {strides = array<i32>} : memref<512x128xf32, #tpu.memory_space<vmem>>, vector<1x16xf32>,
      %get3A_147 = vector.shape_cast %get3A_146 : vector<1x16xf32> to vector<16xf32>
      %sub3A_148 = arith.subf %get3A_141, %get3A_147 : vector<16xf32>
      %mul3A_149 = arith.mulf %sub3A_148, %sub3A_148 : vector<16xf32>
      %add3A_150 = arith.addf %scan3A_112, %mul3A_149 : vector<16xf32>
      %get3A_151 = arith.index_cast %scan3A_109 : i32 to index
      %get3A_152 = arith.constant 48 : index
      %get3A_153 = tpu.vector_load %arg9[%get3A_151, %get3A_152] {strides = array<i32>} : memref<256x64xf32, #tpu.memory_space<vmem>>, vector<1x16xf32>,
      %get3A_154 = vector.shape_cast %get3A_153 : vector<1x16xf32> to vector<16xf32>
      %add3A_155 = arith.constant 256 : i32
      %add3A_156 = arith.addi %add3A_155, %scan3A_109 : i32
      %get3A_157 = arith.index_cast %add3A_156 : i32 to index
      %get3A_158 = arith.constant 48 : index
      %get3A_159 = tpu.vector_load %arg8[%get3A_157, %get3A_158] {strides = array<i32>} : memref<512x128xf32, #tpu.memory_space<vmem>>, vector<1x16xf32>,
      %get3A_160 = vector.shape_cast %get3A_159 : vector<1x16xf32> to vector<16xf32>
      %sub3A_161 = arith.subf %get3A_154, %get3A_160 : vector<16xf32>
      %mul3A_162 = arith.mulf %sub3A_161, %sub3A_161 : vector<16xf32>
      %add3A_163 = arith.addf %scan3A_113, %mul3A_162 : vector<16xf32>
      scf.yield %add3A_124, %add3A_137, %add3A_150, %add3A_163 : vector<16xf32>, vector<16xf32>, vector<16xf32>, vector<16xf32>
    }
    %scan3A_102 = arith.constant 256 : i32
    %add3A_103 = arith.addf %scan3A_101#0, %scan3A_101#1 : vector<16xf32>
    %add3A_104 = arith.addf %add3A_103, %scan3A_101#2 : vector<16xf32>
    %add3A_105 = arith.addf %add3A_104, %scan3A_101#3 : vector<16xf32>
    %swap3A = arith.constant 0 : index
    %swap3A_106 = tpu.vector_load %arg10[%swap3A] {strides = array<i32>} : memref<16xf32, #tpu.memory_space<vmem>>, vector<16xf32>,
    %swap3A_107 = vector.shape_cast %swap3A_106 : vector<16xf32> to vector<16xf32>
    %swap3A_108 = vector.shape_cast %add3A_105 : vector<16xf32> to vector<16xf32>
    tpu.vector_store %arg10[%swap3A], %swap3A_108 {strides = array<i32>} : memref<16xf32, #tpu.memory_space<vmem>>, vector<16xf32>,
    "tpu.region"() ({
      %run_scoped3A = tpu.sem_alloc : memref<!tpu.dma_semaphore, #tpu.memory_space<semaphore_mem>>
      %dma_start3A_109 = arith.constant 0 : i32
      %dma_start3A_110 = tpu.memref_slice %arg5[%add3A, %dma_start3A_109] : memref<32x16xf32, #tpu.memory_space<hbm>> -> memref<1x16xf32, #tpu.memory_space<hbm>>
      %dma_start3A_111 = tpu.memref_squeeze %dma_start3A_110 : memref<1x16xf32, #tpu.memory_space<hbm>> -> memref<16xf32, #tpu.memory_space<hbm>>
      %dma_start3A_112 = arith.constant 0 : i32
      %dma_start3A_113 = tpu.memref_slice %arg5[%add3A, %dma_start3A_112] : memref<32x16xf32, #tpu.memory_space<hbm>> -> memref<1x16xf32, #tpu.memory_space<hbm>>
      %dma_start3A_114 = tpu.memref_squeeze %dma_start3A_113 : memref<1x16xf32, #tpu.memory_space<hbm>> -> memref<16xf32, #tpu.memory_space<hbm>>
      tpu.enqueue_dma source(%arg10 : memref<16xf32, #tpu.memory_space<vmem>>) target(%dma_start3A_114 : memref<16xf32, #tpu.memory_space<hbm>>) target_semaphore(%run_scoped3A : memref<!tpu.dma_semaphore, #tpu.memory_space<semaphore_mem>>)
      %dma_wait3A_115 = arith.constant 0 : i32
      %dma_wait3A_116 = tpu.memref_slice %arg5[%add3A, %dma_wait3A_115] : memref<32x16xf32, #tpu.memory_space<hbm>> -> memref<1x16xf32, #tpu.memory_space<hbm>>
      %dma_wait3A_117 = tpu.memref_squeeze %dma_wait3A_116 : memref<1x16xf32, #tpu.memory_space<hbm>> -> memref<16xf32, #tpu.memory_space<hbm>>
      %dma_wait3A_118 = arith.constant 0 : i32
      %dma_wait3A_119 = tpu.memref_slice %arg5[%add3A, %dma_wait3A_118] : memref<32x16xf32, #tpu.memory_space<hbm>> -> memref<1x16xf32, #tpu.memory_space<hbm>>
      %dma_wait3A_120 = tpu.memref_squeeze %dma_wait3A_119 : memref<1x16xf32, #tpu.memory_space<hbm>> -> memref<16xf32, #tpu.memory_space<hbm>>
      tpu.wait_dma2 semaphore(%run_scoped3A : memref<!tpu.dma_semaphore, #tpu.memory_space<semaphore_mem>>) src(%arg10 : memref<16xf32, #tpu.memory_space<vmem>>) dst(%dma_wait3A_120 : memref<16xf32, #tpu.memory_space<hbm>>)
      tpu.yield
    }) : () -> ()
    return
  }
}

</mosaic_0001>

<sc_bundles>
// kernel: kernel.3.cloned.1.call-start
scs
__scs_entry_jumppad:
0x0: {  	(pc) =	sbr.rel $0x88, $3  }
0x1: {  	(tag) =	ssettag $0x0;
	lr =	simm.s32 $0x1  }
0x2: {  	[smem:$0x3F9E] =	sst lr;
	_ =	strace $0xD0000000  }
0x3: {  	_ = 	snop  }
0x4: {  	_ = 	snop  }
0x5: {  	_ = 	snop  }
0x6: {  	_ = 	snop  }
0x7: {  	_ = 	snop  }
__scs_overlays_trampoline_lowered:
0x8: {  	[smem:$0x3FAD] =	sst s0  }
0x9: {  	[smem:$0x3FAE] =	sst s1  }
0xa: {  	[smem:$0x3FAF] =	sst s2  }
0xb: {  	[smem:$0x3FB0] =	sst s3  }
0xc: {  	[smem:$0x3FB1] =	sst s4  }
0xd: {  	[smem:$0x3FB2] =	sst s5  }
0xe: {  	[smem:$0x3FB3] =	sst s6  }
0xf: {  	[smem:$0x3FB4] =	sst s7  }
0x10: {  	[smem:$0x3FB5] =	sst s8  }
0x11: {  	[smem:$0x3FB6] =	sst s9;
	s0 =	simm.s32 @!p0 $0x0  }
0x12: {  	s1 =	sld [smem:$0x3F9C];
	s0 =	simm.s32 @p0 $0x1  }
0x13: {  	[smem:$0x3FB7] =	sst s0;
	s0 =	simm.s32 @!p1 $0x0  }
0x14: {  	s2 =	sld [smem:$0x3F9B];
	s0 =	simm.s32 @p1 $0x1  }
0x15: {  	[smem:$0x3FB8] =	sst s0;
	s0 =	simm.s32 @!p2 $0x0  }
0x16: {  	s3 =	sld [smem:$0x3FDB];
	s0 =	simm.s32 @p2 $0x1  }
0x17: {  	s4 =	simm.s32 $0x1BF5;
	[smem:$0x3FBA] =	sst s0  }
0x18: {  	s0 =	sld [smem:$0x3F9D];
	_ =	swait.ge [sflag:s4], $0x0  }
0x19: {  	s7 =	sld [smem:$0x3F9E]  }
0x1a: {  	s8 =	sadd.s32 $0xFFFFE003, lr  }
0x1b: {  	s9 =	sadd.s32 $0xFFFFFEF7, lr;
	s5 =	simm.s32 $0xFFFFFFFF;
	p2 =	slt.u32 s8, $0xFFFFF086  }
0x1c: {  	p1 =	slt.u32 s9, $0xF7A;
	s5 =	simm.s32 @!p2 $0x0  }
0x1d: {  	s5 =	simm.s32 @p1 $0x1;
	p0 =	seq.s32 s7, s2  }
0x1e: {  	s7 =	smul.u32 @!p0 $0xF7A, s2;
	p2 =	seq.s32 @!p0 s5, $0x0  }
0x1f: {  	s9 =	smul.u32 $0xF7A, s1;
	s8 =	simm.s32 @!p0 $0x1BF5;
	p2 =	por !p2, p0  }
0x20: {  	[sflag:s8] =	ssyncset.s32 @!p0 $0xFFFFF086;
	s6 =	sadd.s32 @!p0 s3, s7;
	s7 =	simm.s32 @!p0 $0x108  }
0x21: {  	s3 =	sadd.s32 s3, s9;
	s6 =	sadd.s32 @!p0 $0x88, s6;
	s7 =	simm.s32 @p2 $0x1082  }
0x22: {  	[simem:s7], [sflag:s8] =	dma.local @!p0 [hbm:s6], $0xF7A  }
0x23: {  	s9 =	sor.u32 $0xD0000000, s2;
	s6 =	simm.s32 $0x108;
	_ =	swait.ge @!p0 [sflag:s8], $0x0  }
0x24: {  	s3 =	sadd.s32 $0x88, s3;
	s6 =	simm.s32 @!p1 $0x1082;
	[sflag:s4] =	ssyncset.s32 $0xFFFFF086  }
0x25: {  	[simem:s6], [sflag:s4] =	dma.local [hbm:s3], $0xF7A  }
0x26: {  	[smem:$0x3F9E] =	sst s1;
	(tag) =	ssettag s2;
	_ =	strace s9  }
0x27: {  	s1 =	sld [smem:$0x3FAE]  }
0x28: {  	s2 =	sld [smem:$0x3FAF]  }
0x29: {  	s4 =	sld [smem:$0x3FB1]  }
0x2a: {  	p0 =	seq.s32 s5, $0x0;
	s5 =	sld [smem:$0x3FB2]  }
0x2b: {  	s6 =	sld [smem:$0x3FB3]  }
0x2c: {  	s7 =	sld [smem:$0x3FB4]  }
0x2d: {  	s3 =	simm.s32 $0x108;
	s8 =	sld [smem:$0x3FB5]  }
0x2e: {  	s3 =	simm.s32 @!p0 $0x1082;
	s9 =	sld [smem:$0x3FB6]  }
0x2f: {  	lr =	sadd.s32 s0, s3;
	s0 =	sld [smem:$0x3FAD]  }
0x30: {  	s3 =	sld [smem:$0x3FB0]  }
0x31: {  	[smem:$0x3FB9] =	sst s10  }
0x32: {  	s10 =	sld [smem:$0x3FB7];
	_ =	sdelay $0x3  }
0x33: {  	p0 =	seq.s32 s10, $0x1;
	s10 =	sld [smem:$0x3FB9];
	_ =	sdelay $0x3  }
0x34: {  	[smem:$0x3FB9] =	sst s10  }
0x35: {  	s10 =	sld [smem:$0x3FB8];
	_ =	sdelay $0x3  }
0x36: {  	p1 =	seq.s32 s10, $0x1;
	s10 =	sld [smem:$0x3FB9];
	_ =	sdelay $0x3  }
0x37: {  	[smem:$0x3FB9] =	sst s10  }
0x38: {  	s10 =	sld [smem:$0x3FBA]  }
0x39: {  	_ = 	snop;
	(pc) =	sbr.ind lr, $3  }
0x3a: {  	_ = 	snop  }
0x3b: {  	_ = 	snop  }
0x3c: {  	p2 =	seq.s32 s10, $0x1;
	s10 =	sld [smem:$0x3FB9]  }
0x3d: {  	_ =	shalt  }
0x3e: {  	_ =	shalt  }
0x3f: {  	_ =	shalt  }
0x40: {  	_ =	shalt  }
0x41: {  	_ =	shalt  }
0x42: {  	_ =	shalt  }
0x43: {  	_ =	shalt  }
0x44: {  	_ =	shalt  }
0x45: {  	_ =	shalt  }
0x46: {  	_ =	shalt  }
0x47: {  	_ =	shalt  }
0x48: {  	_ =	shalt  }
0x49: {  	_ =	shalt  }
0x4a: {  	_ =	shalt  }
0x4b: {  	_ =	shalt  }
0x4c: {  	_ =	shalt  }
0x4d: {  	_ =	shalt  }
0x4e: {  	_ =	shalt  }
0x4f: {  	_ =	shalt  }
0x50: {  	_ =	shalt  }
0x51: {  	_ =	shalt  }
0x52: {  	_ =	shalt  }
0x53: {  	_ =	shalt  }
0x54: {  	_ =	shalt  }
0x55: {  	_ =	shalt  }
0x56: {  	_ =	shalt  }
0x57: {  	_ =	shalt  }
0x58: {  	_ =	shalt  }
0x59: {  	_ =	shalt  }
0x5a: {  	_ =	shalt  }
0x5b: {  	_ =	shalt  }
0x5c: {  	_ =	shalt  }
0x5d: {  	_ =	shalt  }
0x5e: {  	_ =	shalt  }
0x5f: {  	_ =	shalt  }
0x60: {  	_ =	shalt  }
0x61: {  	_ =	shalt  }
0x62: {  	_ =	shalt  }
0x63: {  	_ =	shalt  }
0x64: {  	_ =	shalt  }
0x65: {  	_ =	shalt  }
0x66: {  	_ =	shalt  }
0x67: {  	_ =	shalt  }
0x68: {  	_ =	shalt  }
0x69: {  	_ =	shalt  }
0x6a: {  	_ =	shalt  }
0x6b: {  	_ =	shalt  }
0x6c: {  	_ =	shalt  }
0x6d: {  	_ =	shalt  }
0x6e: {  	_ =	shalt  }
0x6f: {  	_ =	shalt  }
0x70: {  	_ =	shalt  }
0x71: {  	_ =	shalt  }
0x72: {  	_ =	shalt  }
0x73: {  	_ =	shalt  }
0x74: {  	_ =	shalt  }
0x75: {  	_ =	shalt  }
0x76: {  	_ =	shalt  }
0x77: {  	_ =	shalt  }
0x78: {  	_ =	shalt  }
0x79: {  	_ =	shalt  }
0x7a: {  	_ =	shalt  }
0x7b: {  	_ =	shalt  }
0x7c: {  	_ =	shalt  }
0x7d: {  	_ =	shalt  }
0x7e: {  	_ =	shalt  }
0x7f: {  	_ =	shalt  }
0x80: {  	_ =	shalt  }
0x81: {  	_ =	shalt  }
0x82: {  	_ =	shalt  }
0x83: {  	_ =	shalt  }
0x84: {  	_ =	shalt  }
0x85: {  	_ =	shalt  }
0x86: {  	_ =	shalt  }
0x87: {  	_ =	shalt  }
.Lfunc_end0:
.L_simem_size_0:
called_computation_lowered:
.L_overlay_start_0:
0x88: {  	s2 =	sld [smem:$0x3FD9]  }
0x89: {  	s3 =	sld [smem:$0x3FFE];
	_ =	sdelay $0x1  }
0x8a: {  	s1 =	srdreg.scid  }
0x8b: {  	s0 =	sand.u32 $0x1, s1  }
0x8c: {  	s17 =	sshll.u32 s0, $0xA;
	s2 =	sadd.s32 s3, s2  }
0x8d: {  	s2 =	sadd.s32 s2, s17  }
0x8e: {  	[smem:$0x3FC5] =	sst s2  }
0x8f: {  	_ = 	snop  }
0x90: {  	s2 =	sld [smem:$0x3FC9];
	(tm) =	ssettm $0x1  }
0x91: {  	s18 =	sld [smem:$0x3FFB];
	_ =	sdelay $0x3  }
0x92: {  	_ =	strace s18  }
0x93: {  	s3 =	sld [smem:$0x3FFC];
	_ =	sdelay $0x3  }
0x94: {  	_ =	strace s3  }
0x95: {  	s3 =	sld [smem:$0x3FFD];
	_ =	sdelay $0x3  }
0x96: {  	_ =	strace s3  }
0x97: {  	_ =	strace $0x8FFFFFFF  }
0x98: {  	s19 =	sld [smem:$0x3FDB];
	_ =	sdelay $0x1  }
0x99: {  	s4 =	simm.s32 $_scs_section_size  }
0x9a: {  	s5 =	simm.s32 $_size__tile_overlayer_lowered;
	s6 =	simm.s32 $_tile_overlayer_lowered  }
0x9b: {  	s22 =	simm.s32 $0x1BFF;
	s21 =	sshll.u32 s6, $0x1;
	s3 =	sadd.s32 s4, s19  }
0x9c: {  	s7 =	simm.s32 $0x0;
	s20 =	sshll.u32 s5, $0x1;
	s5 =	sadd.s32 s21, s3  }
0x9d: {  	[timem:s7], [sflag:s22] =	dma.local [hbm:s5], s20  }
0x9e: {  	_ =	swait.ge [sflag:s22], s20  }
0x9f: {  	s4 =	ssub.s32 $0x0, s20;
	[sflag:s22] =	ssyncset.done $0x0  }
0xa0: {  	[sflag:s22] =	ssyncadd.s32 s4;
	_ =	sdelay $0x1  }
0xa1: {  	s23 =	simm.s32 $0x1B8B  }
0xa2: {  	_ =	swait.ge [sflag:s23], $0x1  }
0xa3: {  	[sflag:s23] =	ssyncset.done $0x0  }
0xa4: {  	s25 =	simm.s32 $0x1B8E;
	s24 =	sld [smem:$0x3FFE];
	[sflag:s23] =	ssyncadd.s32 $0xFFFFFFFF  }
0xa5: {  	s26 =	simm.s32 $execute0_lowered;
	[smem:$0x3FD2] =	sst s25  }
0xa6: {  	s5 =	sshll.u32 s26, $0x1;
	_ =	strace $0x80000046;
	[dreg:$0x1] =	wrdreg $0xFFFFFFFF  }
0xa7: {  	s28 =	simm.s32 $_size_execute0_lowered;
	s3 =	sadd.s32 s3, s5;
	[dreg:$0x0] =	wrdreg $0x0  }
0xa8: {  	s5 =	sshll.u32 s28, $0x1;
	[dreg:$0x2] =	wrdreg s3  }
0xa9: {  	[dreg:$0x3] =	wrdreg s5  }
0xaa: {  	[dreg:$0x4] =	wrdreg $0xC0  }
0xab: {  	_ =	task [dreg:s7], $0x5FFFF  }
0xac: {  	[dreg:$0x1] =	wrdreg $0xFFFFFFFF  }
0xad: {  	[dreg:$0x0] =	wrdreg $0x60  }
0xae: {  	[dreg:$0x2] =	wrdreg s2  }
0xaf: {  	[dreg:$0x3] =	wrdreg s24  }
0xb0: {  	[dreg:$0x4] =	wrdreg $0x9  }
0xb1: {  	_ =	task.clear_ibuf [dreg:s7], $0x5FFFF;
	_ =	strace $0x90000046  }
0xb2: {  	s29 =	simm.s32 $0x9;
	_ =	strace $0x80000048  }
0xb3: {  	_ =	swait.ge [sflag:s29], $0x1  }
0xb4: {  	[sflag:s29] =	ssyncadd.s32 $0xFFFFFFFF  }
0xb5: {  	_ =	strace $0x90000048  }
0xb6: {  	_ =	sfence  }
0xb7: {  	s30 =	sld [smem:$0x0];
	_ =	sdelay $0x2  }
0xb8: {  	s31 =	sshll.u32 s1, $0xD;
	s1 =	sshrl.u32 s1, $0x2  }
0xb9: {  	s3 =	sand.u32 $0x4000, s31;
	s1 =	sadd.s32 s1, s30  }
0xba: {  	s0 =	sor.u32 s3, s0;
	s1 =	sshll.u32 s1, $0x11  }
0xbb: {  	s0 =	sor.u32 s1, s0  }
0xbc: {  	s0 =	sadd.s32 $0x8F2B, s0  }
0xbd: {  	[sflag:s0] =	ssyncadd.remote.s32 $0x1  }
0xbe: {  	_ =	sfence.sel $0xFFFF  }
0xbf: {  	[dreg:$0x0] =	wrdreg $0xFFFFFFFF;
	(pc) =	sbr.abs _section_cstart, $3  }
0xc0: {  	[dreg:$0x1] =	wrdreg $0xFFFFFFFF  }
0xc1: {  	_ =	task.clear_ibuf [dreg:s7], $0x2FFFF;
	_ =	strace $0x9FFFFFFF  }
0xc2: {  	(tm) =	ssettm $0x7FFFFFFF  }
0xc3: {  	_ =	shalt  }
tec
execute0_lowered:
.L_overlay_start_1:
0x0: {  	(tag) =	ssettag $0x1  }
0x1: {  	s5 =	rddreg [dreg:$0x0]  }
0x2: {  	s4 =	rddreg [dreg:$0x1]  }
0x3: {  	s0 =	rddreg [dreg:$0x2]  }
0x4: {  	s3 =	srdreg.scid;
	s1 =	stileid.u32;
	s2 =	simm.s32 $0x0  }
0x5: {  	s10 =	simm.s32 $0x80;
	s11 =	simm.s32 $0x200;
	s12 =	simm.s32 $0x400  }
0x6: {  	s13 =	simm.s32 $0x280;
	s14 =	simm.s32 $0x4400;
	s15 =	simm.s32 $0x300  }
0x7: {  	s16 =	simm.s32 $0x8400;
	s17 =	simm.s32 $0x380;
	s18 =	simm.s32 $0xC400  }
0x8: {  	s19 =	simm.s32 $0x10400;
	s20 =	simm.s32 $0x1;
	s21 =	simm.s32 $0x18400  }
0x9: {  	s3 =	sand.u32 $0x1, s3;
	s6 =	sshll.u32 s1, $0x1;
	[smem:$0x7FF] =	sst s2  }
0xa: {  	s22 =	simm.s32 $0x0;
	s6 =	sor.u32 s3, s6;
	_ =	strace $0x80000047  }
0xb: {  	s9 =	ssub.s32 $0x2, s3;
	s3 =	sadd.s32 $0x1C6C00, s4;
	s7 =	sshll.u32 s6, $0xD  }
0xc: {  	s8 =	sshll.u32 s6, $0x4;
	s31 =	sshrl.u32 s9, $0x1;
	s6 =	sshll.u32 s6, $0x6  }
0xd: {  	s7 =	sadd.s32 s7, s4;
	s8 =	sadd.s32 s8, s4;
	s9 =	ssub.s32 s9, s31  }
0xe: {  	s5 =	sadd.s32 s5, s6;
	s4 =	sadd.s32 $0x186C00, s7;
	s6 =	sadd.s32 $0x187C00, s7  }
0xf: {  	s7 =	sadd.s32 $0x200, s8;
	s8 =	smax.u32 s9, $0x1;
	s9 =	simm.s32 $0x2  }
.LBB2_1:
0x10: {  	[tilespmem:s2], [sflag:$0x2] =	stream.linear.gather [hbm4b:s5+s2], $0x200, $0x38;
	[tilespmem:$0x18480] =	vst v63  }
0x11: {  	_ =	swait.ge [sflag:s9], $0x200  }
0x12: {  	[sflag:s9] =	ssyncset.done $0x0  }
0x13: {  	s24 =	simm.s32 $0x0;
	[sflag:s9] =	ssyncadd.s32 $0xFFFFFE00  }
0x14: {  	v0 =	vld [tilespmem:s24+$0x0]  }
0x15: {  	s23 =	sand.u32 $0x600, s2  }
0x16: {  	s25 =	sand.u32 $0x70, s2;
	s26 =	sshrl.u32 s23, $0x2  }
0x17: {  	s23 =	simm.s32 $0x10;
	s25 =	sor.u32 s25, s26;
	s24 =	simm.s32 $0x40  }
.LBB2_2:
0x18: {  	s26 =	sshra.s32 s24, $0x2  }
0x19: {  	p0 =	sne.s32 s23, $0x1F0;
	[tilespmem:s25+$0x200] =	vst v0;
	s25 =	smov.u32 s23;
	s23 =	sadd.s32 $0x10, s23  }
.Ltmp0:
0x1a: {  	v0 =	vld [tilespmem:s26+$0x0];
	(pc) =	sbr.rel @p0 .LBB2_2-.Ltmp0, $4  }
0x1b: {  	_ = 	snop  }
0x1c: {  	s26 =	sand.u32 $0x600, s24  }
0x1d: {  	s25 =	sand.u32 $0x70, s25;
	s26 =	sshrl.u32 s26, $0x2  }
0x1e: {  	s24 =	sadd.s32 $0x40, s24;
	s25 =	sor.u32 s25, s26  }
0x1f: {  	[tilespmem:s25+$0x200] =	vst v0  }
0x20: {  	[tilespmem:s12], [sflag:$0x1] =	stream.indirect.gather [hbm4b:s3+s10], $0x80, s11, s10, $0xb8;
	[tilespmem:$0x18480] =	vst v63  }
0x21: {  	_ = 	snop  }
0x22: {  	[tilespmem:s14], [sflag:$0x1] =	stream.indirect.gather [hbm4b:s3+s10], $0x80, s13, s10, $0xb8;
	[tilespmem:$0x18480] =	vst v63  }
0x23: {  	_ = 	snop  }
0x24: {  	[tilespmem:s16], [sflag:$0x1] =	stream.indirect.gather [hbm4b:s3+s10], $0x80, s15, s10, $0xb8;
	[tilespmem:$0x18480] =	vst v63  }
0x25: {  	_ = 	snop  }
0x26: {  	[tilespmem:s18], [sflag:$0x1] =	stream.indirect.gather [hbm4b:s3+s10], $0x80, s17, s10, $0xb8;
	[tilespmem:$0x18480] =	vst v63  }
0x27: {  	s23 =	simm.s32 $0x0  }
0x28: {  	[tilespmem:s19], [sflag:$0x2] =	stream.linear.gather [hbm4b:s4+s23], $0x8000, $0x38;
	[tilespmem:$0x18480] =	vst v63  }
0x29: {  	_ =	swait.ge [sflag:s9], $0x8000  }
0x2a: {  	[sflag:s9] =	ssyncset.done $0x0  }
0x2b: {  	[sflag:s9] =	ssyncadd.s32 $0xFFFF8000  }
0x2c: {  	_ =	swait.ge [sflag:s20], $0x4000  }
0x2d: {  	[sflag:s20] =	ssyncset.done $0x0  }
0x2e: {  	[sflag:s20] =	ssyncadd.s32 $0xFFFFC000  }
0x2f: {  	_ =	swait.ge [sflag:s20], $0x4000  }
0x30: {  	[sflag:s20] =	ssyncset.done $0x0  }
0x31: {  	s24 =	simm.s32 $0x0;
	[sflag:s20] =	ssyncadd.s32 $0xFFFFC000  }
0x32: {  	v0 =	vld [tilespmem:s24+$0x10430]  }
0x33: {  	v1 =	vld [tilespmem:s24+$0x430]  }
0x34: {  	v5 =	vld [tilespmem:s24+$0x10400]  }
0x35: {  	v6 =	vld [tilespmem:s24+$0x400];
	_ =	sdelay $0x1  }
0x36: {  	v4 =	vld [tilespmem:s24+$0x10410]  }
0x37: {  	v7 =	vld [tilespmem:s24+$0x410]  }
0x38: {  	v3 =	vld [tilespmem:s24+$0x10420];
	v0 =	vsub.f32 v0, v1  }
0x39: {  	v2 =	vimm.f32 $0.0e+00;
	s23 =	simm.s32 $0x80;
	v8 =	vld [tilespmem:s24+$0x420];
	v10 =	vsub.f32 v5, v6;
	v5 =	vimm.f32 $0.0e+00  }
0x3a: {  	s24 =	simm.s32 $0x400;
	v6 =	vld [tilespmem:s23+$0x10430];
	v1 =	vimm.f32 $0.0e+00;
	v9 =	vmul.f32 v0, v0;
	v0 =	vimm.f32 $0.0e+00  }
.LBB2_4:
0x3b: {  	p0 =	sne.s32 s24, $0x1FE00;
	v11 =	vld [tilespmem:s23+$0x430]  }
0x3c: {  	v12 =	vld [tilespmem:s23+$0x10400];
	v10 =	vmul.f32 v10, v10;
	v7 =	vsub.f32 v4, v7;
	v2 =	vadd.f32 v9, v2  }
0x3d: {  	v9 =	vld [tilespmem:s23+$0x400]  }
.Ltmp1:
0x3e: {  	v4 =	vld [tilespmem:s23+$0x10410];
	v5 =	vadd.f32 v10, v5;
	v10 =	vmul.f32 v7, v7;
	v8 =	vsub.f32 v3, v8;
	(pc) =	sbr.rel @p0 .LBB2_4-.Ltmp1, $4  }
0x3f: {  	v7 =	vld [tilespmem:s23+$0x410]  }
0x40: {  	v3 =	vld [tilespmem:s23+$0x10420];
	v11 =	vsub.f32 v6, v11;
	v1 =	vadd.f32 v10, v1;
	v13 =	vmul.f32 v8, v8  }
0x41: {  	v8 =	vld [tilespmem:s23+$0x420];
	s23 =	sshra.s32 s24, $0x2  }
0x42: {  	s24 =	sadd.s32 $0x200, s24;
	v6 =	vld [tilespmem:s23+$0x10430];
	v10 =	vsub.f32 v12, v9;
	v9 =	vmul.f32 v11, v11;
	v0 =	vadd.f32 v13, v0  }
0x43: {  	v11 =	vld [tilespmem:s23+$0x430]  }
0x44: {  	v12 =	vld [tilespmem:s23+$0x10400]  }
0x45: {  	v13 =	vld [tilespmem:s23+$0x400]  }
0x46: {  	v14 =	vld [tilespmem:s23+$0x10410]  }
0x47: {  	v15 =	vld [tilespmem:s23+$0x410]  }
0x48: {  	v16 =	vld [tilespmem:s23+$0x10420];
	s31 =	simm.s32 $0x0  }
0x49: {  	v17 =	vld [tilespmem:s23+$0x420];
	[tilespmem:s19], [sflag:$0x2] =	stream.linear.gather [hbm4b:s6+s31], $0x8000, $0x38  }
0x4a: {  	_ =	swait.ge [sflag:s9], $0x8000  }
0x4b: {  	[sflag:s9] =	ssyncset.done $0x0  }
0x4c: {  	[sflag:s9] =	ssyncadd.s32 $0xFFFF8000  }
0x4d: {  	_ =	swait.ge [sflag:s20], $0x4000  }
0x4e: {  	[sflag:s20] =	ssyncset.done $0x0  }
0x4f: {  	[sflag:s20] =	ssyncadd.s32 $0xFFFFC000  }
0x50: {  	_ =	swait.ge [sflag:s20], $0x4000  }
0x51: {  	[sflag:s20] =	ssyncset.done $0x0  }
0x52: {  	s24 =	simm.s32 $0x0;
	[sflag:s20] =	ssyncadd.s32 $0xFFFFC000  }
0x53: {  	v10 =	vmul.f32 v10, v10;
	v4 =	vsub.f32 v4, v7;
	v18 =	vld [tilespmem:s24+$0x10430]  }
0x54: {  	v2 =	vadd.f32 v9, v2;
	v3 =	vsub.f32 v3, v8;
	v8 =	vld [tilespmem:s24+$0x8430]  }
0x55: {  	v5 =	vadd.f32 v10, v5;
	v4 =	vmul.f32 v4, v4;
	v6 =	vsub.f32 v6, v11;
	v9 =	vld [tilespmem:s24+$0x10400]  }
0x56: {  	v7 =	vsub.f32 v12, v13;
	v3 =	vmul.f32 v3, v3;
	v10 =	vsub.f32 v14, v15;
	v11 =	vld [tilespmem:s24+$0x8400]  }
0x57: {  	v1 =	vadd.f32 v4, v1;
	v61 =	vsub.f32 v16, v17;
	v6 =	vmul.f32 v6, v6;
	v4 =	vld [tilespmem:s24+$0x10410]  }
0x58: {  	v62 =	vadd.f32 v3, v0;
	v3 =	vmul.f32 v7, v7;
	v10 =	vmul.f32 v10, v10;
	v7 =	vld [tilespmem:s24+$0x8410]  }
0x59: {  	v12 =	vmul.f32 v61, v61;
	v0 =	vadd.f32 v6, v2;
	v6 =	vld [tilespmem:s24+$0x10420];
	v63 =	vsub.f32 v18, v8  }
0x5a: {  	s23 =	simm.s32 $0x80;
	v2 =	vadd.f32 v3, v5;
	v3 =	vadd.f32 v10, v1;
	v8 =	vld [tilespmem:s24+$0x8420]  }
0x5b: {  	v1 =	vadd.f32 v12, v62;
	v5 =	vld [tilespmem:s23+$0x10430];
	s24 =	simm.s32 $0x400;
	v10 =	vsub.f32 v9, v11;
	v9 =	vmul.f32 v63, v63  }
.LBB2_6:
0x5c: {  	p0 =	sne.s32 s24, $0x1FE00;
	v11 =	vld [tilespmem:s23+$0x8430]  }
0x5d: {  	v12 =	vld [tilespmem:s23+$0x10400];
	v10 =	vmul.f32 v10, v10;
	v7 =	vsub.f32 v4, v7;
	v0 =	vadd.f32 v9, v0  }
0x5e: {  	v9 =	vld [tilespmem:s23+$0x8400]  }
.Ltmp2:
0x5f: {  	v4 =	vld [tilespmem:s23+$0x10410];
	v2 =	vadd.f32 v10, v2;
	v10 =	vmul.f32 v7, v7;
	v8 =	vsub.f32 v6, v8;
	(pc) =	sbr.rel @p0 .LBB2_6-.Ltmp2, $4  }
0x60: {  	v7 =	vld [tilespmem:s23+$0x8410]  }
0x61: {  	v6 =	vld [tilespmem:s23+$0x10420];
	v11 =	vsub.f32 v5, v11;
	v3 =	vadd.f32 v10, v3;
	v13 =	vmul.f32 v8, v8  }
0x62: {  	v8 =	vld [tilespmem:s23+$0x8420];
	s23 =	sshra.s32 s24, $0x2  }
0x63: {  	s24 =	sadd.s32 $0x200, s24;
	v5 =	vld [tilespmem:s23+$0x10430];
	v10 =	vsub.f32 v12, v9;
	v9 =	vmul.f32 v11, v11;
	v1 =	vadd.f32 v13, v1  }
0x64: {  	v11 =	vld [tilespmem:s23+$0x10400]  }
0x65: {  	v12 =	vld [tilespmem:s23+$0x8400]  }
0x66: {  	v13 =	vld [tilespmem:s23+$0x10410]  }
0x67: {  	v14 =	vld [tilespmem:s23+$0x8410]  }
0x68: {  	v15 =	vld [tilespmem:s23+$0x10420]  }
0x69: {  	v56 =	vld [tilespmem:s23+$0x8420];
	v4 =	vsub.f32 v4, v7  }
0x6a: {  	v16 =	vld [tilespmem:s23+$0x8430]  }
0x6b: {  	v57 =	vmul.f32 v10, v10;
	v6 =	vsub.f32 v6, v8;
	v4 =	vmul.f32 v4, v4  }
0x6c: {  	v58 =	vsub.f32 v11, v12;
	v59 =	vsub.f32 v13, v14  }
0x6d: {  	v2 =	vadd.f32 v57, v2;
	v3 =	vadd.f32 v4, v3;
	v60 =	vmul.f32 v6, v6  }
0x6e: {  	v7 =	vsub.f32 v15, v56;
	v61 =	vmul.f32 v58, v58;
	v62 =	vmul.f32 v59, v59  }
0x6f: {  	v5 =	vsub.f32 v5, v16;
	v1 =	vadd.f32 v60, v1  }
0x70: {  	v63 =	vmul.f32 v7, v7;
	v2 =	vadd.f32 v61, v2;
	v3 =	vadd.f32 v62, v3  }
0x71: {  	v0 =	vadd.f32 v9, v0  }
0x72: {  	v5 =	vmul.f32 v5, v5;
	v1 =	vadd.f32 v63, v1;
	v2 =	vadd.f32 v3, v2;
	_ =	sdelay $0x1  }
0x73: {  	v0 =	vadd.f32 v5, v0;
	v1 =	vadd.f32 v1, v2;
	_ =	sdelay $0x1  }
0x74: {  	s22 =	sadd.s32 $0x1, s22;
	v0 =	vadd.f32 v0, v1  }
0x75: {  	p0 =	sne.s32 s22, s8  }
.Ltmp3:
0x76: {  	[tilespmem:$0x18400] =	vst v0;
	(pc) =	sbr.rel @p0 .LBB2_1-.Ltmp3, $4  }
0x77: {  	[hbm4b:s7+s2] =	stream.linear.scatter [tilespmem:s21], [sflag:$0x2], $0x80, $0x38;
	[tilespmem:$0x18480] =	vst v63  }
0x78: {  	_ =	swait.ge [sflag:s9], $0x80  }
0x79: {  	[sflag:s9] =	ssyncset.done $0x0  }
0x7a: {  	[sflag:s9] =	ssyncadd.s32 $0xFFFFFF80  }
0x7b: {  	_ =	sfence.sel $0x180000  }
0x7c: {  	[bflag:$0x0] =	sbarrier.arrive $0xFFFF  }
0x7d: {  	p0 =	sne.s32 s1, $0x0;
	_ =	strace $0x90000047  }
0x7e: {  	s0 =	sadd.s32 @!p0 $0x100000, s0;
	[bflag:$0x2] =	sbarrier.arrive $0xFFFF  }
0x7f: {  	[sflag:s0] =	ssyncadd.tile.s32 @!p0 $0x1;
	_ =	shalt  }
.Lfunc_end2:
_tile_overlayer_lowered:
.L_overlay_start_2:
0x80: {  	(tag) =	ssettag $0x2  }
0x81: {  	s0 =	rddreg [dreg:$0x0];
	s2 =	stileid.u32  }
0x82: {  	s1 =	rddreg [dreg:$0x1];
	p0 =	sne.s32 s2, $0x0  }
0x83: {  	s3 =	rddreg [dreg:$0x2];
	[bflag:$0x3] =	sbarrier.arrive $0xFFFF;
	s2 =	simm.s32 @!p0 $0x1C02  }
0x84: {  	[timem:s3], [sflag:s2] =	dma.local @!p0 [hbm:s0], s1  }
0x85: {  	s0 =	simm.s32 @!p0 $0x2  }
0x86: {  	_ =	swait.ge @!p0 [sflag:s0], s1  }
0x87: {  	s1 =	ssub.s32 @!p0 $0x0, s1;
	[sflag:s0] =	ssyncset.done @!p0 $0x0  }
0x88: {  	[sflag:s0] =	ssyncadd.s32 @!p0 s1  }
0x89: {  	[bflag:$0x3] =	sbarrier.arrive $0xFFFF  }
0x8a: {  	_ =	shalt  }

</sc_bundles>
